<compile_context>
chip_gen: v7x
topology: tpu7x:2x2x1
jax: 0.10.2.dev20260603
libtpu: 0.0.44.dev20260713+nightly
codegen_flags: <defaults>
</compile_context>

<pallas_src>
import functools

import jax
import jax.numpy as jnp
from jax import lax
from jax.experimental import pallas as pl
from jax.experimental.pallas import tpu as pltpu
from jax.experimental.pallas import tpu_sc as plsc

SEQ_LEN = 512
CLS_ID = 101
SEP_ID = 102
PAD_ID = 0
B = 16
TOTAL = 4096
BUDGET = SEQ_LEN - 3
LANES = 16
WIN = 528
WCAP = TOTAL - WIN


def _pack_call(tokens1, cu1, tokens2, cu2, label):
    mesh = plsc.VectorSubcoreMesh(
        core_axis_name="c", subcore_axis_name="s", num_cores=1)
    out_sds = jax.ShapeDtypeStruct((B, SEQ_LEN), jnp.int32)
    lab_sds = jax.ShapeDtypeStruct((B,), jnp.float32)

    @functools.partial(
        pl.kernel,
        out_type=(out_sds, out_sds, out_sds, lab_sds),
        mesh=mesh,
        compiler_params=pltpu.CompilerParams(needs_layout_passes=False),
        scratch_types=[
            pltpu.VMEM((2 * WIN,), jnp.int32),
            pltpu.VMEM((32,), jnp.int32),
            pltpu.VMEM((32,), jnp.int32),
            pltpu.VMEM((SEQ_LEN,), jnp.int32),
            pltpu.VMEM((SEQ_LEN,), jnp.int32),
            pltpu.VMEM((SEQ_LEN,), jnp.int32),
            pltpu.VMEM((B,), jnp.float32),
            pltpu.SemaphoreType.DMA,
        ],
    )
    def body(tok1_hbm, cu1_hbm, tok2_hbm, cu2_hbm, lab_hbm,
             ids_hbm, mask_hbm, tid_hbm, lab_out_hbm,
             tok_v, cu1_v, cu2_v, ids_v, mask_v, tid_v, lab_v, sem):
        r = lax.axis_index("s")

        cp_a = pltpu.async_copy(cu1_hbm, cu1_v.at[pl.ds(0, B + 1)], sem)
        cp_b = pltpu.async_copy(cu2_hbm, cu2_v.at[pl.ds(0, B + 1)], sem)

        @pl.when(r == 0)
        def _label_in():
            pltpu.async_copy(lab_hbm, lab_v, sem).wait()

        cp_a.wait()
        cp_b.wait()

        cu1_vec = cu1_v[pl.ds(r, LANES)]
        cu2_vec = cu2_v[pl.ds(r, LANES)]
        c1 = cu1_vec[0]
        len1 = cu1_vec[1] - c1
        c2 = cu2_vec[0]
        len2 = cu2_vec[1] - c2
        t1 = jnp.minimum(len1, BUDGET - jnp.minimum(len2, BUDGET // 2))
        t2 = jnp.minimum(len2, BUDGET - t1)

        s1 = jnp.minimum(jnp.bitwise_and(c1, -8), WCAP)
        s2 = jnp.minimum(jnp.bitwise_and(c2, -8), WCAP)
        cp_1 = pltpu.async_copy(
            tok1_hbm.at[pl.ds(pl.multiple_of(s1, 8), WIN)],
            tok_v.at[pl.ds(0, WIN)], sem)
        cp_2 = pltpu.async_copy(
            tok2_hbm.at[pl.ds(pl.multiple_of(s2, 8), WIN)],
            tok_v.at[pl.ds(WIN, WIN)], sem)

        @pl.when(r == 0)
        def _label_out():
            pltpu.async_copy(lab_v, lab_out_hbm, sem).wait()

        cp_1.wait()
        cp_2.wait()

        a1 = c1 - 1 - s1
        a2 = c2 - s2 + WIN
        t1u = jnp.uint32(t1)
        t2u = jnp.uint32(t2)

        @plsc.parallel_loop(0, SEQ_LEN, LANES, unroll=1)
        def step(off):
            p = off + lax.iota(jnp.int32, LANES)
            d2 = p - (t1 + 2)
            in1 = (p - 1).astype(jnp.uint32) < t1u
            in2 = d2.astype(jnp.uint32) < t2u
            g1 = plsc.load_gather(tok_v, [jnp.clip(p + a1, 0, WIN - 1)])
            g2 = plsc.load_gather(tok_v, [jnp.clip(d2 + a2, WIN, 2 * WIN - 1)])
            sep = (d2 == -1) | (d2 == t2)
            ids_v[pl.ds(off, LANES)] = jnp.where(in1, g1,
                jnp.where(in2, g2,
                jnp.where(sep, SEP_ID, PAD_ID))).astype(jnp.int32)
            mask_v[pl.ds(off, LANES)] = (d2 <= t2).astype(jnp.int32)
            tid_v[pl.ds(off, LANES)] = (in2 | (d2 == t2)).astype(jnp.int32)

        head = ids_v[pl.ds(0, LANES)]
        ids_v[pl.ds(0, LANES)] = jnp.where(
            lax.iota(jnp.int32, LANES) == 0, CLS_ID, head)

        cp_o1 = pltpu.async_copy(ids_v, ids_hbm.at[r], sem)
        cp_o2 = pltpu.async_copy(mask_v, mask_hbm.at[r], sem)
        cp_o3 = pltpu.async_copy(tid_v, tid_hbm.at[r], sem)
        cp_o1.wait()
        cp_o2.wait()
        cp_o3.wait()

    return body(tokens1, cu1, tokens2, cu2, label)


def kernel(tokens1, cu_seqlens1, tokens2, cu_seqlens2, label):
    ids, mask, tids, lab = _pack_call(
        tokens1, cu_seqlens1, tokens2, cu_seqlens2, label)
    return (ids, mask, tids, lab)

# --- scband reference (transcript-rebuilt; emitter-appended) ---
"""Pipeline reference for scband-bert-input-processor-16879221473299 (READ-ONLY COPY).

The authoritative reference and input builder live on the scoring server;
editing this copy changes nothing except your own understanding.
"""

import jax, jax.numpy as jnp
import numpy as np

SEQ_LEN = 512
CLS_ID = 101
SEP_ID = 102
PAD_ID = 0
VOCAB = 30522
B = 16
TOTAL = 4096


def setup_inputs(seed: int = 0) -> dict:
    key = jax.random.key(seed)
    k1, k2, k3, k4, k5 = jax.random.split(key, 5)
    tokens1 = jax.random.randint(k1, (TOTAL,), 1000, VOCAB, dtype=jnp.int32)
    tokens2 = jax.random.randint(k2, (TOTAL,), 1000, VOCAB, dtype=jnp.int32)

    def make_cu(k):
        cuts = jnp.sort(jax.random.randint(k, (B - 1,), 0, TOTAL, dtype=jnp.int32))
        return jnp.concatenate([jnp.zeros((1,), jnp.int32), cuts, jnp.full((1,), TOTAL, jnp.int32)])

    cu_seqlens1 = make_cu(k3)
    cu_seqlens2 = make_cu(k4)
    label = jax.random.normal(k5, (B,), dtype=jnp.float32)
    return {
        'tokens1': tokens1,
        'cu_seqlens1': cu_seqlens1,
        'tokens2': tokens2,
        'cu_seqlens2': cu_seqlens2,
        'label': label,
    }


def _pack(tokens1, cu1, tokens2, cu2):
    # Faithful JAX translation of tokenize + BertPackInputs:
    # per-example ragged sequences are trimmed (approx RoundRobinTrimmer via
    # fair-split-with-spillover), then packed as [CLS] s1 [SEP] s2 [SEP] + PAD.
    L = SEQ_LEN
    budget = L - 3
    len1 = cu1[1:] - cu1[:-1]
    len2 = cu2[1:] - cu2[:-1]
    t1 = jnp.minimum(len1, budget - jnp.minimum(len2, budget // 2))
    t2 = jnp.minimum(len2, budget - t1)
    p = jnp.arange(L, dtype=jnp.int32)[None, :]          # [1, L]
    t1c = t1[:, None]                                    # [B, 1]
    t2c = t2[:, None]
    in1 = (p >= 1) & (p <= t1c)
    sep1 = p == (t1c + 1)
    in2 = (p >= t1c + 2) & (p <= t1c + 1 + t2c)
    sep2 = p == (t1c + t2c + 2)
    idx1 = jnp.clip(cu1[:-1][:, None] + p - 1, 0, tokens1.shape[0] - 1)
    idx2 = jnp.clip(cu2[:-1][:, None] + p - t1c - 2, 0, tokens2.shape[0] - 1)
    g1 = jnp.take(tokens1, idx1)                         # ragged gather (SparseCore)
    g2 = jnp.take(tokens2, idx2)
    ids = jnp.where(p == 0, CLS_ID,
          jnp.where(in1, g1,
          jnp.where(sep1, SEP_ID,
          jnp.where(in2, g2,
          jnp.where(sep2, SEP_ID, PAD_ID))))).astype(jnp.int32)
    mask = (p <= t1c + t2c + 2).astype(jnp.int32)
    type_ids = ((p >= t1c + 2) & (p <= t1c + t2c + 2)).astype(jnp.int32)
    return ids, mask, type_ids


def reference(tokens1, cu_seqlens1, tokens2, cu_seqlens2, label):
    input_word_ids, input_mask, input_type_ids = _pack(tokens1, cu_seqlens1, tokens2, cu_seqlens2)
    # original returns (packed, label) when label present
    return (input_word_ids, input_mask, input_type_ids, label)

if __name__ == "__main__":
    import jax
    _d = setup_inputs()
    print(jax.jit(kernel)(*tuple(_d.values())))

</pallas_src>

<mosaic_0001>
#map = affine_map<(d0, d1) -> (0)>
#map1 = affine_map<(d0, d1) -> (0, 0)>
module attributes {stable_mosaic.version = 14 : i64} {
  func.func @body(%arg0: i32, %arg1: i32, %arg2: memref<4096xi32, #tpu.memory_space<hbm>>, %arg3: memref<17xi32, #tpu.memory_space<hbm>>, %arg4: memref<4096xi32, #tpu.memory_space<hbm>>, %arg5: memref<17xi32, #tpu.memory_space<hbm>>, %arg6: memref<16xf32, #tpu.memory_space<hbm>>, %arg7: memref<16x512xi32, #tpu.memory_space<hbm>>, %arg8: memref<16x512xi32, #tpu.memory_space<hbm>>, %arg9: memref<16x512xi32, #tpu.memory_space<hbm>>, %arg10: memref<16xf32, #tpu.memory_space<hbm>>, %arg11: memref<1056xi32, #tpu.memory_space<vmem>>, %arg12: memref<32xi32, #tpu.memory_space<vmem>>, %arg13: memref<32xi32, #tpu.memory_space<vmem>>, %arg14: memref<512xi32, #tpu.memory_space<vmem>>, %arg15: memref<512xi32, #tpu.memory_space<vmem>>, %arg16: memref<512xi32, #tpu.memory_space<vmem>>, %arg17: memref<16xf32, #tpu.memory_space<vmem>>, %arg18: memref<!tpu.dma_semaphore, #tpu.memory_space<semaphore_mem>>) attributes {dimension_semantics = [#tpu.dimension_semantics<core_parallel>, #tpu.dimension_semantics<subcore_parallel>], iteration_bounds = array<i64: 1, 16>, scalar_prefetch = 0 : i64, scratch_operands = 8 : i64, tpu.core_type = #tpu.core_type<sc_vector_subcore>, window_params = [{transform_indices = #map}, {transform_indices = #map}, {transform_indices = #map}, {transform_indices = #map}, {transform_indices = #map}, {transform_indices = #map1}, {transform_indices = #map1}, {transform_indices = #map1}, {transform_indices = #map}]} {
    %dma_start3A = arith.constant 0 : i32
    %dma_start3A_0 = tpu.memref_slice %arg12[%dma_start3A] : memref<32xi32, #tpu.memory_space<vmem>> -> memref<17xi32, #tpu.memory_space<vmem>>
    %dma_start3A_1 = arith.constant 0 : i32
    %dma_start3A_2 = tpu.memref_slice %arg12[%dma_start3A_1] : memref<32xi32, #tpu.memory_space<vmem>> -> memref<17xi32, #tpu.memory_space<vmem>>
    tpu.enqueue_dma source(%arg3 : memref<17xi32, #tpu.memory_space<hbm>>) target(%dma_start3A_2 : memref<17xi32, #tpu.memory_space<vmem>>) target_semaphore(%arg18 : memref<!tpu.dma_semaphore, #tpu.memory_space<semaphore_mem>>)
    %dma_start3A_3 = arith.constant 0 : i32
    %dma_start3A_4 = tpu.memref_slice %arg13[%dma_start3A_3] : memref<32xi32, #tpu.memory_space<vmem>> -> memref<17xi32, #tpu.memory_space<vmem>>
    %dma_start3A_5 = arith.constant 0 : i32
    %dma_start3A_6 = tpu.memref_slice %arg13[%dma_start3A_5] : memref<32xi32, #tpu.memory_space<vmem>> -> memref<17xi32, #tpu.memory_space<vmem>>
    tpu.enqueue_dma source(%arg5 : memref<17xi32, #tpu.memory_space<hbm>>) target(%dma_start3A_6 : memref<17xi32, #tpu.memory_space<vmem>>) target_semaphore(%arg18 : memref<!tpu.dma_semaphore, #tpu.memory_space<semaphore_mem>>)
    %eq3A = arith.constant 0 : i32
    %eq3A_7 = arith.cmpi eq, %arg1, %eq3A : i32
    %convert_element_type3A = arith.extui %eq3A_7 : i1 to i32
    %cond3A = arith.constant 0 : i32
    %cond3A_8 = arith.cmpi ne, %convert_element_type3A, %cond3A : i32
    scf.if %cond3A_8 {
      tpu.enqueue_dma source(%arg6 : memref<16xf32, #tpu.memory_space<hbm>>) target(%arg17 : memref<16xf32, #tpu.memory_space<vmem>>) target_semaphore(%arg18 : memref<!tpu.dma_semaphore, #tpu.memory_space<semaphore_mem>>)
      tpu.wait_dma2 semaphore(%arg18 : memref<!tpu.dma_semaphore, #tpu.memory_space<semaphore_mem>>) src(%arg6 : memref<16xf32, #tpu.memory_space<hbm>>) dst(%arg17 : memref<16xf32, #tpu.memory_space<vmem>>)
    } else {
    }
    %dma_wait3A = arith.constant 0 : i32
    %dma_wait3A_9 = tpu.memref_slice %arg12[%dma_wait3A] : memref<32xi32, #tpu.memory_space<vmem>> -> memref<17xi32, #tpu.memory_space<vmem>>
    %dma_wait3A_10 = arith.constant 0 : i32
    %dma_wait3A_11 = tpu.memref_slice %arg12[%dma_wait3A_10] : memref<32xi32, #tpu.memory_space<vmem>> -> memref<17xi32, #tpu.memory_space<vmem>>
    tpu.wait_dma2 semaphore(%arg18 : memref<!tpu.dma_semaphore, #tpu.memory_space<semaphore_mem>>) src(%arg3 : memref<17xi32, #tpu.memory_space<hbm>>) dst(%dma_wait3A_11 : memref<17xi32, #tpu.memory_space<vmem>>)
    %dma_wait3A_12 = arith.constant 0 : i32
    %dma_wait3A_13 = tpu.memref_slice %arg13[%dma_wait3A_12] : memref<32xi32, #tpu.memory_space<vmem>> -> memref<17xi32, #tpu.memory_space<vmem>>
    %dma_wait3A_14 = arith.constant 0 : i32
    %dma_wait3A_15 = tpu.memref_slice %arg13[%dma_wait3A_14] : memref<32xi32, #tpu.memory_space<vmem>> -> memref<17xi32, #tpu.memory_space<vmem>>
    tpu.wait_dma2 semaphore(%arg18 : memref<!tpu.dma_semaphore, #tpu.memory_space<semaphore_mem>>) src(%arg5 : memref<17xi32, #tpu.memory_space<hbm>>) dst(%dma_wait3A_15 : memref<17xi32, #tpu.memory_space<vmem>>)
    %get3A = arith.index_cast %arg1 : i32 to index
    %get3A_16 = tpu.vector_load %arg12[%get3A] {strides = array<i32>} : memref<32xi32, #tpu.memory_space<vmem>>, vector<16xi32>,
    %get3A_17 = arith.index_cast %arg1 : i32 to index
    %get3A_18 = tpu.vector_load %arg13[%get3A_17] {strides = array<i32>} : memref<32xi32, #tpu.memory_space<vmem>>, vector<16xi32>,
    %slice3A = vector.extract_strided_slice %get3A_16 {offsets = [0], sizes = [1], strides = [1]} : vector<16xi32> to vector<1xi32>
    %squeeze3A = vector.extract %slice3A[0] : i32 from vector<1xi32>
    %slice3A_19 = vector.extract_strided_slice %get3A_16 {offsets = [1], sizes = [1], strides = [1]} : vector<16xi32> to vector<1xi32>
    %squeeze3A_20 = vector.extract %slice3A_19[0] : i32 from vector<1xi32>
    %sub3A = arith.subi %squeeze3A_20, %squeeze3A : i32
    %slice3A_21 = vector.extract_strided_slice %get3A_18 {offsets = [0], sizes = [1], strides = [1]} : vector<16xi32> to vector<1xi32>
    %squeeze3A_22 = vector.extract %slice3A_21[0] : i32 from vector<1xi32>
    %slice3A_23 = vector.extract_strided_slice %get3A_18 {offsets = [1], sizes = [1], strides = [1]} : vector<16xi32> to vector<1xi32>
    %squeeze3A_24 = vector.extract %slice3A_23[0] : i32 from vector<1xi32>
    %sub3A_25 = arith.subi %squeeze3A_24, %squeeze3A_22 : i32
    %min3A = arith.constant 254 : i32
    %min3A_26 = arith.minsi %sub3A_25, %min3A : i32
    %sub3A_27 = arith.constant 509 : i32
    %sub3A_28 = arith.subi %sub3A_27, %min3A_26 : i32
    %min3A_29 = arith.minsi %sub3A, %sub3A_28 : i32
    %sub3A_30 = arith.constant 509 : i32
    %sub3A_31 = arith.subi %sub3A_30, %min3A_29 : i32
    %min3A_32 = arith.minsi %sub3A_25, %sub3A_31 : i32
    %and3A = arith.constant -8 : i32
    %and3A_33 = arith.andi %squeeze3A, %and3A : i32
    %min3A_34 = arith.constant 3568 : i32
    %min3A_35 = arith.minsi %and3A_33, %min3A_34 : i32
    %and3A_36 = arith.constant -8 : i32
    %and3A_37 = arith.andi %squeeze3A_22, %and3A_36 : i32
    %min3A_38 = arith.constant 3568 : i32
    %min3A_39 = arith.minsi %and3A_37, %min3A_38 : i32
    %multiple_of3A = tpu.assume_multiple %min3A_35, 8 : i32
    %dma_start3A_40 = arith.constant 0 : i32
    %dma_start3A_41 = tpu.memref_slice %arg11[%dma_start3A_40] : memref<1056xi32, #tpu.memory_space<vmem>> -> memref<528xi32, #tpu.memory_space<vmem>>
    %dma_start3A_42 = tpu.memref_slice %arg2[%multiple_of3A] : memref<4096xi32, #tpu.memory_space<hbm>> -> memref<528xi32, #tpu.memory_space<hbm>>
    %dma_start3A_43 = arith.constant 0 : i32
    %dma_start3A_44 = tpu.memref_slice %arg11[%dma_start3A_43] : memref<1056xi32, #tpu.memory_space<vmem>> -> memref<528xi32, #tpu.memory_space<vmem>>
    %dma_start3A_45 = tpu.memref_slice %arg2[%multiple_of3A] : memref<4096xi32, #tpu.memory_space<hbm>> -> memref<528xi32, #tpu.memory_space<hbm>>
    tpu.enqueue_dma source(%dma_start3A_45 : memref<528xi32, #tpu.memory_space<hbm>>) target(%dma_start3A_44 : memref<528xi32, #tpu.memory_space<vmem>>) target_semaphore(%arg18 : memref<!tpu.dma_semaphore, #tpu.memory_space<semaphore_mem>>)
    %multiple_of3A_46 = tpu.assume_multiple %min3A_39, 8 : i32
    %dma_start3A_47 = arith.constant 528 : i32
    %dma_start3A_48 = tpu.memref_slice %arg11[%dma_start3A_47] : memref<1056xi32, #tpu.memory_space<vmem>> -> memref<528xi32, #tpu.memory_space<vmem>>
    %dma_start3A_49 = tpu.memref_slice %arg4[%multiple_of3A_46] : memref<4096xi32, #tpu.memory_space<hbm>> -> memref<528xi32, #tpu.memory_space<hbm>>
    %dma_start3A_50 = arith.constant 528 : i32
    %dma_start3A_51 = tpu.memref_slice %arg11[%dma_start3A_50] : memref<1056xi32, #tpu.memory_space<vmem>> -> memref<528xi32, #tpu.memory_space<vmem>>
    %dma_start3A_52 = tpu.memref_slice %arg4[%multiple_of3A_46] : memref<4096xi32, #tpu.memory_space<hbm>> -> memref<528xi32, #tpu.memory_space<hbm>>
    tpu.enqueue_dma source(%dma_start3A_52 : memref<528xi32, #tpu.memory_space<hbm>>) target(%dma_start3A_51 : memref<528xi32, #tpu.memory_space<vmem>>) target_semaphore(%arg18 : memref<!tpu.dma_semaphore, #tpu.memory_space<semaphore_mem>>)
    %eq3A_53 = arith.constant 0 : i32
    %eq3A_54 = arith.cmpi eq, %arg1, %eq3A_53 : i32
    %convert_element_type3A_55 = arith.extui %eq3A_54 : i1 to i32
    %cond3A_56 = arith.constant 0 : i32
    %cond3A_57 = arith.cmpi ne, %convert_element_type3A_55, %cond3A_56 : i32
    scf.if %cond3A_57 {
      tpu.enqueue_dma source(%arg17 : memref<16xf32, #tpu.memory_space<vmem>>) target(%arg10 : memref<16xf32, #tpu.memory_space<hbm>>) target_semaphore(%arg18 : memref<!tpu.dma_semaphore, #tpu.memory_space<semaphore_mem>>)
      tpu.wait_dma2 semaphore(%arg18 : memref<!tpu.dma_semaphore, #tpu.memory_space<semaphore_mem>>) src(%arg17 : memref<16xf32, #tpu.memory_space<vmem>>) dst(%arg10 : memref<16xf32, #tpu.memory_space<hbm>>)
    } else {
    }
    %dma_wait3A_58 = arith.constant 0 : i32
    %dma_wait3A_59 = tpu.memref_slice %arg11[%dma_wait3A_58] : memref<1056xi32, #tpu.memory_space<vmem>> -> memref<528xi32, #tpu.memory_space<vmem>>
    %dma_wait3A_60 = tpu.memref_slice %arg2[%multiple_of3A] : memref<4096xi32, #tpu.memory_space<hbm>> -> memref<528xi32, #tpu.memory_space<hbm>>
    %dma_wait3A_61 = arith.constant 0 : i32
    %dma_wait3A_62 = tpu.memref_slice %arg11[%dma_wait3A_61] : memref<1056xi32, #tpu.memory_space<vmem>> -> memref<528xi32, #tpu.memory_space<vmem>>
    %dma_wait3A_63 = tpu.memref_slice %arg2[%multiple_of3A] : memref<4096xi32, #tpu.memory_space<hbm>> -> memref<528xi32, #tpu.memory_space<hbm>>
    tpu.wait_dma2 semaphore(%arg18 : memref<!tpu.dma_semaphore, #tpu.memory_space<semaphore_mem>>) src(%dma_wait3A_63 : memref<528xi32, #tpu.memory_space<hbm>>) dst(%dma_wait3A_62 : memref<528xi32, #tpu.memory_space<vmem>>)
    %dma_wait3A_64 = arith.constant 528 : i32
    %dma_wait3A_65 = tpu.memref_slice %arg11[%dma_wait3A_64] : memref<1056xi32, #tpu.memory_space<vmem>> -> memref<528xi32, #tpu.memory_space<vmem>>
    %dma_wait3A_66 = tpu.memref_slice %arg4[%multiple_of3A_46] : memref<4096xi32, #tpu.memory_space<hbm>> -> memref<528xi32, #tpu.memory_space<hbm>>
    %dma_wait3A_67 = arith.constant 528 : i32
    %dma_wait3A_68 = tpu.memref_slice %arg11[%dma_wait3A_67] : memref<1056xi32, #tpu.memory_space<vmem>> -> memref<528xi32, #tpu.memory_space<vmem>>
    %dma_wait3A_69 = tpu.memref_slice %arg4[%multiple_of3A_46] : memref<4096xi32, #tpu.memory_space<hbm>> -> memref<528xi32, #tpu.memory_space<hbm>>
    tpu.wait_dma2 semaphore(%arg18 : memref<!tpu.dma_semaphore, #tpu.memory_space<semaphore_mem>>) src(%dma_wait3A_69 : memref<528xi32, #tpu.memory_space<hbm>>) dst(%dma_wait3A_68 : memref<528xi32, #tpu.memory_space<vmem>>)
    %sub3A_70 = arith.constant 1 : i32
    %sub3A_71 = arith.subi %squeeze3A, %sub3A_70 : i32
    %sub3A_72 = arith.subi %sub3A_71, %min3A_35 : i32
    %sub3A_73 = arith.subi %squeeze3A_22, %min3A_39 : i32
    %add3A = arith.constant 528 : i32
    %add3A_74 = arith.addi %sub3A_73, %add3A : i32
    %parallel_loop3A = arith.constant 0 : i32
    %parallel_loop3A_75 = arith.constant 512 : i32
    %parallel_loop3A_76 = arith.constant 16 : i32
    scf.for %parallel_loop3A_119 = %parallel_loop3A to %parallel_loop3A_75 step %parallel_loop3A_76  : i32 {
      %parallel_loop3A_120 = tpu.iota {dimensions = array<i32: 0>} : vector<16xi32>
      %parallel_loop3A_121 = vector.broadcast %parallel_loop3A_119 : i32 to vector<16xi32>
      %parallel_loop3A_122 = arith.addi %parallel_loop3A_121, %parallel_loop3A_120 : vector<16xi32>
      %parallel_loop3A_123 = arith.constant 2 : i32
      %parallel_loop3A_124 = arith.addi %min3A_29, %parallel_loop3A_123 : i32
      %parallel_loop3A_125 = vector.broadcast %parallel_loop3A_124 : i32 to vector<16xi32>
      %parallel_loop3A_126 = arith.subi %parallel_loop3A_122, %parallel_loop3A_125 : vector<16xi32>
      %parallel_loop3A_127 = arith.constant 1 : i32
      %parallel_loop3A_128 = vector.broadcast %parallel_loop3A_127 : i32 to vector<16xi32>
      %parallel_loop3A_129 = arith.subi %parallel_loop3A_122, %parallel_loop3A_128 : vector<16xi32>
      %parallel_loop3A_130 = vector.broadcast %min3A_29 : i32 to vector<16xi32>
      %parallel_loop3A_131 = arith.cmpi ult, %parallel_loop3A_129, %parallel_loop3A_130 : vector<16xi32>
      %parallel_loop3A_132 = vector.broadcast %min3A_32 : i32 to vector<16xi32>
      %parallel_loop3A_133 = arith.cmpi ult, %parallel_loop3A_126, %parallel_loop3A_132 : vector<16xi32>
      %parallel_loop3A_134 = vector.broadcast %sub3A_72 : i32 to vector<16xi32>
      %parallel_loop3A_135 = arith.addi %parallel_loop3A_122, %parallel_loop3A_134 : vector<16xi32>
      %parallel_loop3A_136 = arith.constant 0 : i32
      %parallel_loop3A_137 = arith.constant 527 : i32
      %parallel_loop3A_138 = vector.broadcast %parallel_loop3A_136 : i32 to vector<16xi32>
      %parallel_loop3A_139 = arith.maxsi %parallel_loop3A_138, %parallel_loop3A_135 : vector<16xi32>
      %parallel_loop3A_140 = vector.broadcast %parallel_loop3A_137 : i32 to vector<16xi32>
      %parallel_loop3A_141 = arith.minsi %parallel_loop3A_140, %parallel_loop3A_139 : vector<16xi32>
      %parallel_loop3A_142 = tpu.vector_load_idx %arg11[%parallel_loop3A_141] : memref<1056xi32, #tpu.memory_space<vmem>>[vector<16xi32>], vector<16xi32>,
      %parallel_loop3A_143 = vector.broadcast %add3A_74 : i32 to vector<16xi32>
      %parallel_loop3A_144 = arith.addi %parallel_loop3A_126, %parallel_loop3A_143 : vector<16xi32>
      %parallel_loop3A_145 = arith.constant 528 : i32
      %parallel_loop3A_146 = arith.constant 1055 : i32
      %parallel_loop3A_147 = vector.broadcast %parallel_loop3A_145 : i32 to vector<16xi32>
      %parallel_loop3A_148 = arith.maxsi %parallel_loop3A_147, %parallel_loop3A_144 : vector<16xi32>
      %parallel_loop3A_149 = vector.broadcast %parallel_loop3A_146 : i32 to vector<16xi32>
      %parallel_loop3A_150 = arith.minsi %parallel_loop3A_149, %parallel_loop3A_148 : vector<16xi32>
      %parallel_loop3A_151 = tpu.vector_load_idx %arg11[%parallel_loop3A_150] : memref<1056xi32, #tpu.memory_space<vmem>>[vector<16xi32>], vector<16xi32>,
      %parallel_loop3A_152 = arith.constant -1 : i32
      %parallel_loop3A_153 = vector.broadcast %parallel_loop3A_152 : i32 to vector<16xi32>
      %parallel_loop3A_154 = arith.cmpi eq, %parallel_loop3A_126, %parallel_loop3A_153 : vector<16xi32>
      %parallel_loop3A_155 = vector.broadcast %min3A_32 : i32 to vector<16xi32>
      %parallel_loop3A_156 = arith.cmpi eq, %parallel_loop3A_126, %parallel_loop3A_155 : vector<16xi32>
      %parallel_loop3A_157 = arith.ori %parallel_loop3A_154, %parallel_loop3A_156 : vector<16xi1>
      %parallel_loop3A_158 = arith.constant 102 : i32
      %parallel_loop3A_159 = arith.constant 0 : i32
      %parallel_loop3A_160 = vector.broadcast %parallel_loop3A_158 : i32 to vector<16xi32>
      %parallel_loop3A_161 = vector.broadcast %parallel_loop3A_159 : i32 to vector<16xi32>
      %parallel_loop3A_162 = arith.select %parallel_loop3A_157, %parallel_loop3A_160, %parallel_loop3A_161 : vector<16xi1>, vector<16xi32>
      %parallel_loop3A_163 = arith.select %parallel_loop3A_133, %parallel_loop3A_151, %parallel_loop3A_162 : vector<16xi1>, vector<16xi32>
      %parallel_loop3A_164 = arith.select %parallel_loop3A_131, %parallel_loop3A_142, %parallel_loop3A_163 : vector<16xi1>, vector<16xi32>
      %parallel_loop3A_165 = arith.index_cast %parallel_loop3A_119 : i32 to index
      %parallel_loop3A_166 = tpu.vector_load %arg14[%parallel_loop3A_165] {strides = array<i32>} : memref<512xi32, #tpu.memory_space<vmem>>, vector<16xi32>,
      tpu.vector_store %arg14[%parallel_loop3A_165], %parallel_loop3A_164 {strides = array<i32>} : memref<512xi32, #tpu.memory_space<vmem>>, vector<16xi32>,
      %parallel_loop3A_167 = vector.broadcast %min3A_32 : i32 to vector<16xi32>
      %parallel_loop3A_168 = arith.cmpi sle, %parallel_loop3A_126, %parallel_loop3A_167 : vector<16xi32>
      %parallel_loop3A_169 = arith.extui %parallel_loop3A_168 : vector<16xi1> to vector<16xi32>
      %parallel_loop3A_170 = arith.index_cast %parallel_loop3A_119 : i32 to index
      %parallel_loop3A_171 = tpu.vector_load %arg15[%parallel_loop3A_170] {strides = array<i32>} : memref<512xi32, #tpu.memory_space<vmem>>, vector<16xi32>,
      tpu.vector_store %arg15[%parallel_loop3A_170], %parallel_loop3A_169 {strides = array<i32>} : memref<512xi32, #tpu.memory_space<vmem>>, vector<16xi32>,
      %parallel_loop3A_172 = vector.broadcast %min3A_32 : i32 to vector<16xi32>
      %parallel_loop3A_173 = arith.cmpi eq, %parallel_loop3A_126, %parallel_loop3A_172 : vector<16xi32>
      %parallel_loop3A_174 = arith.ori %parallel_loop3A_133, %parallel_loop3A_173 : vector<16xi1>
      %parallel_loop3A_175 = arith.extui %parallel_loop3A_174 : vector<16xi1> to vector<16xi32>
      %parallel_loop3A_176 = arith.index_cast %parallel_loop3A_119 : i32 to index
      %parallel_loop3A_177 = tpu.vector_load %arg16[%parallel_loop3A_176] {strides = array<i32>} : memref<512xi32, #tpu.memory_space<vmem>>, vector<16xi32>,
      tpu.vector_store %arg16[%parallel_loop3A_176], %parallel_loop3A_175 {strides = array<i32>} : memref<512xi32, #tpu.memory_space<vmem>>, vector<16xi32>,
    } {sc.loop_unroll_factor = 1 : i64, sc.parallel_access}
    %get3A_77 = arith.constant 0 : index
    %get3A_78 = tpu.vector_load %arg14[%get3A_77] {strides = array<i32>} : memref<512xi32, #tpu.memory_space<vmem>>, vector<16xi32>,
    %iota3A = tpu.iota {dimensions = array<i32: 0>} : vector<16xi32>
    %eq3A_79 = arith.constant 0 : i32
    %eq3A_80 = vector.broadcast %eq3A_79 : i32 to vector<16xi32>
    %eq3A_81 = arith.cmpi eq, %iota3A, %eq3A_80 : vector<16xi32>
    %jit3A = arith.constant 101 : i32
    %broadcast_in_dim3A = vector.broadcast %jit3A : i32 to vector<16xi32>
    %select_n3A = arith.select %eq3A_81, %broadcast_in_dim3A, %get3A_78 : vector<16xi1>, vector<16xi32>
    %swap3A = arith.constant 0 : index
    %swap3A_82 = tpu.vector_load %arg14[%swap3A] {strides = array<i32>} : memref<512xi32, #tpu.memory_space<vmem>>, vector<16xi32>,
    tpu.vector_store %arg14[%swap3A], %select_n3A {strides = array<i32>} : memref<512xi32, #tpu.memory_space<vmem>>, vector<16xi32>,
    %dma_start3A_83 = arith.constant 0 : i32
    %dma_start3A_84 = tpu.memref_slice %arg7[%arg1, %dma_start3A_83] : memref<16x512xi32, #tpu.memory_space<hbm>> -> memref<1x512xi32, #tpu.memory_space<hbm>>
    %dma_start3A_85 = tpu.memref_squeeze %dma_start3A_84 : memref<1x512xi32, #tpu.memory_space<hbm>> -> memref<512xi32, #tpu.memory_space<hbm>>
    %dma_start3A_86 = arith.constant 0 : i32
    %dma_start3A_87 = tpu.memref_slice %arg7[%arg1, %dma_start3A_86] : memref<16x512xi32, #tpu.memory_space<hbm>> -> memref<1x512xi32, #tpu.memory_space<hbm>>
    %dma_start3A_88 = tpu.memref_squeeze %dma_start3A_87 : memref<1x512xi32, #tpu.memory_space<hbm>> -> memref<512xi32, #tpu.memory_space<hbm>>
    tpu.enqueue_dma source(%arg14 : memref<512xi32, #tpu.memory_space<vmem>>) target(%dma_start3A_88 : memref<512xi32, #tpu.memory_space<hbm>>) target_semaphore(%arg18 : memref<!tpu.dma_semaphore, #tpu.memory_space<semaphore_mem>>)
    %dma_start3A_89 = arith.constant 0 : i32
    %dma_start3A_90 = tpu.memref_slice %arg8[%arg1, %dma_start3A_89] : memref<16x512xi32, #tpu.memory_space<hbm>> -> memref<1x512xi32, #tpu.memory_space<hbm>>
    %dma_start3A_91 = tpu.memref_squeeze %dma_start3A_90 : memref<1x512xi32, #tpu.memory_space<hbm>> -> memref<512xi32, #tpu.memory_space<hbm>>
    %dma_start3A_92 = arith.constant 0 : i32
    %dma_start3A_93 = tpu.memref_slice %arg8[%arg1, %dma_start3A_92] : memref<16x512xi32, #tpu.memory_space<hbm>> -> memref<1x512xi32, #tpu.memory_space<hbm>>
    %dma_start3A_94 = tpu.memref_squeeze %dma_start3A_93 : memref<1x512xi32, #tpu.memory_space<hbm>> -> memref<512xi32, #tpu.memory_space<hbm>>
    tpu.enqueue_dma source(%arg15 : memref<512xi32, #tpu.memory_space<vmem>>) target(%dma_start3A_94 : memref<512xi32, #tpu.memory_space<hbm>>) target_semaphore(%arg18 : memref<!tpu.dma_semaphore, #tpu.memory_space<semaphore_mem>>)
    %dma_start3A_95 = arith.constant 0 : i32
    %dma_start3A_96 = tpu.memref_slice %arg9[%arg1, %dma_start3A_95] : memref<16x512xi32, #tpu.memory_space<hbm>> -> memref<1x512xi32, #tpu.memory_space<hbm>>
    %dma_start3A_97 = tpu.memref_squeeze %dma_start3A_96 : memref<1x512xi32, #tpu.memory_space<hbm>> -> memref<512xi32, #tpu.memory_space<hbm>>
    %dma_start3A_98 = arith.constant 0 : i32
    %dma_start3A_99 = tpu.memref_slice %arg9[%arg1, %dma_start3A_98] : memref<16x512xi32, #tpu.memory_space<hbm>> -> memref<1x512xi32, #tpu.memory_space<hbm>>
    %dma_start3A_100 = tpu.memref_squeeze %dma_start3A_99 : memref<1x512xi32, #tpu.memory_space<hbm>> -> memref<512xi32, #tpu.memory_space<hbm>>
    tpu.enqueue_dma source(%arg16 : memref<512xi32, #tpu.memory_space<vmem>>) target(%dma_start3A_100 : memref<512xi32, #tpu.memory_space<hbm>>) target_semaphore(%arg18 : memref<!tpu.dma_semaphore, #tpu.memory_space<semaphore_mem>>)
    %dma_wait3A_101 = arith.constant 0 : i32
    %dma_wait3A_102 = tpu.memref_slice %arg7[%arg1, %dma_wait3A_101] : memref<16x512xi32, #tpu.memory_space<hbm>> -> memref<1x512xi32, #tpu.memory_space<hbm>>
    %dma_wait3A_103 = tpu.memref_squeeze %dma_wait3A_102 : memref<1x512xi32, #tpu.memory_space<hbm>> -> memref<512xi32, #tpu.memory_space<hbm>>
    %dma_wait3A_104 = arith.constant 0 : i32
    %dma_wait3A_105 = tpu.memref_slice %arg7[%arg1, %dma_wait3A_104] : memref<16x512xi32, #tpu.memory_space<hbm>> -> memref<1x512xi32, #tpu.memory_space<hbm>>
    %dma_wait3A_106 = tpu.memref_squeeze %dma_wait3A_105 : memref<1x512xi32, #tpu.memory_space<hbm>> -> memref<512xi32, #tpu.memory_space<hbm>>
    tpu.wait_dma2 semaphore(%arg18 : memref<!tpu.dma_semaphore, #tpu.memory_space<semaphore_mem>>) src(%arg14 : memref<512xi32, #tpu.memory_space<vmem>>) dst(%dma_wait3A_106 : memref<512xi32, #tpu.memory_space<hbm>>)
    %dma_wait3A_107 = arith.constant 0 : i32
    %dma_wait3A_108 = tpu.memref_slice %arg8[%arg1, %dma_wait3A_107] : memref<16x512xi32, #tpu.memory_space<hbm>> -> memref<1x512xi32, #tpu.memory_space<hbm>>
    %dma_wait3A_109 = tpu.memref_squeeze %dma_wait3A_108 : memref<1x512xi32, #tpu.memory_space<hbm>> -> memref<512xi32, #tpu.memory_space<hbm>>
    %dma_wait3A_110 = arith.constant 0 : i32
    %dma_wait3A_111 = tpu.memref_slice %arg8[%arg1, %dma_wait3A_110] : memref<16x512xi32, #tpu.memory_space<hbm>> -> memref<1x512xi32, #tpu.memory_space<hbm>>
    %dma_wait3A_112 = tpu.memref_squeeze %dma_wait3A_111 : memref<1x512xi32, #tpu.memory_space<hbm>> -> memref<512xi32, #tpu.memory_space<hbm>>
    tpu.wait_dma2 semaphore(%arg18 : memref<!tpu.dma_semaphore, #tpu.memory_space<semaphore_mem>>) src(%arg15 : memref<512xi32, #tpu.memory_space<vmem>>) dst(%dma_wait3A_112 : memref<512xi32, #tpu.memory_space<hbm>>)
    %dma_wait3A_113 = arith.constant 0 : i32
    %dma_wait3A_114 = tpu.memref_slice %arg9[%arg1, %dma_wait3A_113] : memref<16x512xi32, #tpu.memory_space<hbm>> -> memref<1x512xi32, #tpu.memory_space<hbm>>
    %dma_wait3A_115 = tpu.memref_squeeze %dma_wait3A_114 : memref<1x512xi32, #tpu.memory_space<hbm>> -> memref<512xi32, #tpu.memory_space<hbm>>
    %dma_wait3A_116 = arith.constant 0 : i32
    %dma_wait3A_117 = tpu.memref_slice %arg9[%arg1, %dma_wait3A_116] : memref<16x512xi32, #tpu.memory_space<hbm>> -> memref<1x512xi32, #tpu.memory_space<hbm>>
    %dma_wait3A_118 = tpu.memref_squeeze %dma_wait3A_117 : memref<1x512xi32, #tpu.memory_space<hbm>> -> memref<512xi32, #tpu.memory_space<hbm>>
    tpu.wait_dma2 semaphore(%arg18 : memref<!tpu.dma_semaphore, #tpu.memory_space<semaphore_mem>>) src(%arg16 : memref<512xi32, #tpu.memory_space<vmem>>) dst(%dma_wait3A_118 : memref<512xi32, #tpu.memory_space<hbm>>)
    return
  }
}

</mosaic_0001>

<sc_bundles>
// kernel: kernel.3.cloned.1.call-start
scs
__scs_entry_jumppad:
0x0: {  	(pc) =	sbr.rel $0x88, $3  }
0x1: {  	(tag) =	ssettag $0x0;
	lr =	simm.s32 $0x1  }
0x2: {  	[smem:$0x3F9C] =	sst lr;
	_ =	strace $0xD0000000  }
0x3: {  	_ = 	snop  }
0x4: {  	_ = 	snop  }
0x5: {  	_ = 	snop  }
0x6: {  	_ = 	snop  }
0x7: {  	_ = 	snop  }
__scs_overlays_trampoline_lowered:
0x8: {  	[smem:$0x3FAB] =	sst s0  }
0x9: {  	[smem:$0x3FAC] =	sst s1  }
0xa: {  	[smem:$0x3FAD] =	sst s2  }
0xb: {  	[smem:$0x3FAE] =	sst s3  }
0xc: {  	[smem:$0x3FAF] =	sst s4  }
0xd: {  	[smem:$0x3FB0] =	sst s5  }
0xe: {  	[smem:$0x3FB1] =	sst s6  }
0xf: {  	[smem:$0x3FB2] =	sst s7  }
0x10: {  	[smem:$0x3FB3] =	sst s8  }
0x11: {  	[smem:$0x3FB4] =	sst s9;
	s0 =	simm.s32 @!p0 $0x0  }
0x12: {  	s1 =	sld [smem:$0x3F9A];
	s0 =	simm.s32 @p0 $0x1  }
0x13: {  	[smem:$0x3FB5] =	sst s0;
	s0 =	simm.s32 @!p1 $0x0  }
0x14: {  	s2 =	sld [smem:$0x3F99];
	s0 =	simm.s32 @p1 $0x1  }
0x15: {  	[smem:$0x3FB6] =	sst s0;
	s0 =	simm.s32 @!p2 $0x0  }
0x16: {  	s3 =	sld [smem:$0x3FDB];
	s0 =	simm.s32 @p2 $0x1  }
0x17: {  	s4 =	simm.s32 $0x1BF5;
	[smem:$0x3FB8] =	sst s0  }
0x18: {  	s0 =	sld [smem:$0x3F9B];
	_ =	swait.ge [sflag:s4], $0x0  }
0x19: {  	s7 =	sld [smem:$0x3F9C]  }
0x1a: {  	s8 =	sadd.s32 $0xFFFFE003, lr  }
0x1b: {  	s9 =	sadd.s32 $0xFFFFFEF7, lr;
	s5 =	simm.s32 $0xFFFFFFFF;
	p2 =	slt.u32 s8, $0xFFFFF086  }
0x1c: {  	p1 =	slt.u32 s9, $0xF7A;
	s5 =	simm.s32 @!p2 $0x0  }
0x1d: {  	s5 =	simm.s32 @p1 $0x1;
	p0 =	seq.s32 s7, s2  }
0x1e: {  	s7 =	smul.u32 @!p0 $0xF7A, s2;
	p2 =	seq.s32 @!p0 s5, $0x0  }
0x1f: {  	s9 =	smul.u32 $0xF7A, s1;
	s8 =	simm.s32 @!p0 $0x1BF5;
	p2 =	por !p2, p0  }
0x20: {  	[sflag:s8] =	ssyncset.s32 @!p0 $0xFFFFF086;
	s6 =	sadd.s32 @!p0 s3, s7;
	s7 =	simm.s32 @!p0 $0x108  }
0x21: {  	s3 =	sadd.s32 s3, s9;
	s6 =	sadd.s32 @!p0 $0x88, s6;
	s7 =	simm.s32 @p2 $0x1082  }
0x22: {  	[simem:s7], [sflag:s8] =	dma.local @!p0 [hbm:s6], $0xF7A  }
0x23: {  	s9 =	sor.u32 $0xD0000000, s2;
	s6 =	simm.s32 $0x108;
	_ =	swait.ge @!p0 [sflag:s8], $0x0  }
0x24: {  	s3 =	sadd.s32 $0x88, s3;
	s6 =	simm.s32 @!p1 $0x1082;
	[sflag:s4] =	ssyncset.s32 $0xFFFFF086  }
0x25: {  	[simem:s6], [sflag:s4] =	dma.local [hbm:s3], $0xF7A  }
0x26: {  	[smem:$0x3F9C] =	sst s1;
	(tag) =	ssettag s2;
	_ =	strace s9  }
0x27: {  	s1 =	sld [smem:$0x3FAC]  }
0x28: {  	s2 =	sld [smem:$0x3FAD]  }
0x29: {  	s4 =	sld [smem:$0x3FAF]  }
0x2a: {  	p0 =	seq.s32 s5, $0x0;
	s5 =	sld [smem:$0x3FB0]  }
0x2b: {  	s6 =	sld [smem:$0x3FB1]  }
0x2c: {  	s7 =	sld [smem:$0x3FB2]  }
0x2d: {  	s3 =	simm.s32 $0x108;
	s8 =	sld [smem:$0x3FB3]  }
0x2e: {  	s3 =	simm.s32 @!p0 $0x1082;
	s9 =	sld [smem:$0x3FB4]  }
0x2f: {  	lr =	sadd.s32 s0, s3;
	s0 =	sld [smem:$0x3FAB]  }
0x30: {  	s3 =	sld [smem:$0x3FAE]  }
0x31: {  	[smem:$0x3FB7] =	sst s10  }
0x32: {  	s10 =	sld [smem:$0x3FB5];
	_ =	sdelay $0x3  }
0x33: {  	p0 =	seq.s32 s10, $0x1;
	s10 =	sld [smem:$0x3FB7];
	_ =	sdelay $0x3  }
0x34: {  	[smem:$0x3FB7] =	sst s10  }
0x35: {  	s10 =	sld [smem:$0x3FB6];
	_ =	sdelay $0x3  }
0x36: {  	p1 =	seq.s32 s10, $0x1;
	s10 =	sld [smem:$0x3FB7];
	_ =	sdelay $0x3  }
0x37: {  	[smem:$0x3FB7] =	sst s10  }
0x38: {  	s10 =	sld [smem:$0x3FB8]  }
0x39: {  	_ = 	snop;
	(pc) =	sbr.ind lr, $3  }
0x3a: {  	_ = 	snop  }
0x3b: {  	_ = 	snop  }
0x3c: {  	p2 =	seq.s32 s10, $0x1;
	s10 =	sld [smem:$0x3FB7]  }
0x3d: {  	_ =	shalt  }
0x3e: {  	_ =	shalt  }
0x3f: {  	_ =	shalt  }
0x40: {  	_ =	shalt  }
0x41: {  	_ =	shalt  }
0x42: {  	_ =	shalt  }
0x43: {  	_ =	shalt  }
0x44: {  	_ =	shalt  }
0x45: {  	_ =	shalt  }
0x46: {  	_ =	shalt  }
0x47: {  	_ =	shalt  }
0x48: {  	_ =	shalt  }
0x49: {  	_ =	shalt  }
0x4a: {  	_ =	shalt  }
0x4b: {  	_ =	shalt  }
0x4c: {  	_ =	shalt  }
0x4d: {  	_ =	shalt  }
0x4e: {  	_ =	shalt  }
0x4f: {  	_ =	shalt  }
0x50: {  	_ =	shalt  }
0x51: {  	_ =	shalt  }
0x52: {  	_ =	shalt  }
0x53: {  	_ =	shalt  }
0x54: {  	_ =	shalt  }
0x55: {  	_ =	shalt  }
0x56: {  	_ =	shalt  }
0x57: {  	_ =	shalt  }
0x58: {  	_ =	shalt  }
0x59: {  	_ =	shalt  }
0x5a: {  	_ =	shalt  }
0x5b: {  	_ =	shalt  }
0x5c: {  	_ =	shalt  }
0x5d: {  	_ =	shalt  }
0x5e: {  	_ =	shalt  }
0x5f: {  	_ =	shalt  }
0x60: {  	_ =	shalt  }
0x61: {  	_ =	shalt  }
0x62: {  	_ =	shalt  }
0x63: {  	_ =	shalt  }
0x64: {  	_ =	shalt  }
0x65: {  	_ =	shalt  }
0x66: {  	_ =	shalt  }
0x67: {  	_ =	shalt  }
0x68: {  	_ =	shalt  }
0x69: {  	_ =	shalt  }
0x6a: {  	_ =	shalt  }
0x6b: {  	_ =	shalt  }
0x6c: {  	_ =	shalt  }
0x6d: {  	_ =	shalt  }
0x6e: {  	_ =	shalt  }
0x6f: {  	_ =	shalt  }
0x70: {  	_ =	shalt  }
0x71: {  	_ =	shalt  }
0x72: {  	_ =	shalt  }
0x73: {  	_ =	shalt  }
0x74: {  	_ =	shalt  }
0x75: {  	_ =	shalt  }
0x76: {  	_ =	shalt  }
0x77: {  	_ =	shalt  }
0x78: {  	_ =	shalt  }
0x79: {  	_ =	shalt  }
0x7a: {  	_ =	shalt  }
0x7b: {  	_ =	shalt  }
0x7c: {  	_ =	shalt  }
0x7d: {  	_ =	shalt  }
0x7e: {  	_ =	shalt  }
0x7f: {  	_ =	shalt  }
0x80: {  	_ =	shalt  }
0x81: {  	_ =	shalt  }
0x82: {  	_ =	shalt  }
0x83: {  	_ =	shalt  }
0x84: {  	_ =	shalt  }
0x85: {  	_ =	shalt  }
0x86: {  	_ =	shalt  }
0x87: {  	_ =	shalt  }
.Lfunc_end0:
.L_simem_size_0:
called_computation_lowered:
.L_overlay_start_0:
0x88: {  	s0 =	sld [smem:$0x3FD9]  }
0x89: {  	s1 =	sld [smem:$0x3FFE];
	_ =	sdelay $0x3  }
0x8a: {  	s0 =	sadd.s32 s1, s0  }
0x8b: {  	[smem:$0x3FC3] =	sst s0  }
0x8c: {  	_ = 	snop  }
0x8d: {  	s0 =	sld [smem:$0x3FC9]  }
0x8e: {  	s14 =	sld [smem:$0x3FC8]  }
0x8f: {  	s2 =	sld [smem:$0x3FD0]  }
0x90: {  	s3 =	sld [smem:$0x3FC7]  }
0x91: {  	s4 =	sld [smem:$0x3FC6]  }
0x92: {  	s6 =	simm.s32 $0xA;
	s7 =	simm.s32 $0x10;
	s5 =	sld [smem:$0x3FC5]  }
0x93: {  	[smem:s7], [sflag:s6] =	dma.local [hbm:s2], $0x1  }
0x94: {  	_ =	swait.eq [sflag:s6], $0x1  }
0x95: {  	s15 =	sld [smem:$0x10]  }
0x96: {  	s16 =	sld [smem:$0x11];
	[sflag:s6] =	ssyncset.done $0x0  }
0x97: {  	s8 =	sld [smem:$0x12];
	[sflag:s6] =	ssyncadd.s32 $0xFFFFFFFF  }
0x98: {  	s17 =	sld [smem:$0x13];
	(tm) =	ssettm $0x1  }
0x99: {  	s9 =	sld [smem:$0x3FFB];
	_ =	sdelay $0x3  }
0x9a: {  	_ =	strace s9  }
0x9b: {  	s9 =	sld [smem:$0x3FFC];
	_ =	sdelay $0x3  }
0x9c: {  	_ =	strace s9  }
0x9d: {  	s9 =	sld [smem:$0x3FFD];
	_ =	sdelay $0x3  }
0x9e: {  	_ =	strace s9  }
0x9f: {  	_ =	strace $0x8FFFFFFF  }
0xa0: {  	s18 =	sld [smem:$0x3FDB];
	_ =	sdelay $0x1  }
0xa1: {  	s10 =	simm.s32 $_scs_section_size  }
0xa2: {  	s11 =	simm.s32 $_size__tile_overlayer_lowered;
	s12 =	simm.s32 $_tile_overlayer_lowered  }
0xa3: {  	s21 =	simm.s32 $0x1BFF;
	s20 =	sshll.u32 s12, $0x1;
	s9 =	sadd.s32 s10, s18  }
0xa4: {  	s13 =	simm.s32 $0x0;
	s19 =	sshll.u32 s11, $0x1;
	s11 =	sadd.s32 s20, s9  }
0xa5: {  	[timem:s13], [sflag:s21] =	dma.local [hbm:s11], s19  }
0xa6: {  	_ =	swait.ge [sflag:s21], s19  }
0xa7: {  	s10 =	ssub.s32 $0x0, s19;
	[sflag:s21] =	ssyncset.done $0x0  }
0xa8: {  	[sflag:s21] =	ssyncadd.s32 s10;
	_ =	sdelay $0x1  }
0xa9: {  	s22 =	simm.s32 $0x1B8B  }
0xaa: {  	_ =	swait.ge [sflag:s22], $0x1  }
0xab: {  	[sflag:s22] =	ssyncset.done $0x0  }
0xac: {  	s23 =	simm.s32 $0x1B8E;
	[sflag:s22] =	ssyncadd.s32 $0xFFFFFFFF  }
0xad: {  	s24 =	simm.s32 $execute0_lowered;
	[smem:$0x3FD2] =	sst s23  }
0xae: {  	s10 =	sshll.u32 s24, $0x1;
	_ =	strace $0x80000046;
	[dreg:$0x1] =	wrdreg $0xFFFFFFFF  }
0xaf: {  	s25 =	simm.s32 $_size_execute0_lowered;
	s9 =	sadd.s32 s9, s10;
	[dreg:$0x0] =	wrdreg $0x0  }
0xb0: {  	s10 =	sshll.u32 s25, $0x1;
	[dreg:$0x2] =	wrdreg s9  }
0xb1: {  	[dreg:$0x3] =	wrdreg s10  }
0xb2: {  	[dreg:$0x4] =	wrdreg $0xC0  }
0xb3: {  	_ =	task [dreg:s13], $0x5FFFF  }
0xb4: {  	[dreg:$0x1] =	wrdreg $0xFFFFFFFF  }
0xb5: {  	[dreg:$0x0] =	wrdreg $0x60  }
0xb6: {  	[dreg:$0x2] =	wrdreg s0  }
0xb7: {  	[dreg:$0x3] =	wrdreg s14  }
0xb8: {  	[dreg:$0x4] =	wrdreg s3  }
0xb9: {  	[dreg:$0x5] =	wrdreg s4  }
0xba: {  	[dreg:$0x6] =	wrdreg s5  }
0xbb: {  	[dreg:$0x7] =	wrdreg s15  }
0xbc: {  	[dreg:$0x8] =	wrdreg s16  }
0xbd: {  	[dreg:$0x9] =	wrdreg s8  }
0xbe: {  	[dreg:$0xa] =	wrdreg s17  }
0xbf: {  	[dreg:$0xb] =	wrdreg $0x9  }
0xc0: {  	_ =	task.clear_ibuf [dreg:s13], $0xCFFFF;
	_ =	strace $0x90000046  }
0xc1: {  	s26 =	simm.s32 $0x9;
	_ =	strace $0x80000048  }
0xc2: {  	_ =	swait.ge [sflag:s26], $0x1  }
0xc3: {  	[sflag:s26] =	ssyncadd.s32 $0xFFFFFFFF  }
0xc4: {  	_ =	strace $0x90000048  }
0xc5: {  	_ =	sfence  }
0xc6: {  	s28 =	sld [smem:$0x0];
	_ =	sdelay $0x1  }
0xc7: {  	s29 =	srdreg.scid  }
0xc8: {  	s30 =	sshll.u32 s29, $0xD;
	s31 =	sshrl.u32 s29, $0x2  }
0xc9: {  	s1 =	sand.u32 $0x1, s29;
	s2 =	sand.u32 $0x4000, s30;
	s0 =	sadd.s32 s31, s28  }
0xca: {  	s1 =	sor.u32 s2, s1;
	s0 =	sshll.u32 s0, $0x11  }
0xcb: {  	s0 =	sor.u32 s0, s1  }
0xcc: {  	s0 =	sadd.s32 $0x8F2B, s0  }
0xcd: {  	[sflag:s0] =	ssyncadd.remote.s32 $0x1  }
0xce: {  	_ =	sfence.sel $0xFFFF  }
0xcf: {  	[dreg:$0x0] =	wrdreg $0xFFFFFFFF;
	(pc) =	sbr.abs _section_cstart, $3  }
0xd0: {  	[dreg:$0x1] =	wrdreg $0xFFFFFFFF  }
0xd1: {  	_ =	task.clear_ibuf [dreg:s13], $0x2FFFF;
	_ =	strace $0x9FFFFFFF  }
0xd2: {  	(tm) =	ssettm $0x7FFFFFFF  }
0xd3: {  	_ =	shalt  }
tec
execute0_lowered:
.L_overlay_start_1:
0x0: {  	(tag) =	ssettag $0x1  }
0x1: {  	s6 =	rddreg [dreg:$0x0]  }
0x2: {  	s7 =	rddreg [dreg:$0x1]  }
0x3: {  	s8 =	rddreg [dreg:$0x2]  }
0x4: {  	s9 =	rddreg [dreg:$0x3]  }
0x5: {  	s10 =	rddreg [dreg:$0x4]  }
0x6: {  	s2 =	rddreg [dreg:$0x5]  }
0x7: {  	s3 =	rddreg [dreg:$0x6]  }
0x8: {  	s4 =	rddreg [dreg:$0x7]  }
0x9: {  	s11 =	rddreg [dreg:$0x8]  }
0xa: {  	s0 =	rddreg [dreg:$0x9];
	s1 =	simm.s32 $0x0  }
0xb: {  	[smem:$0x7FF] =	sst s1  }
0xc: {  	s5 =	stileid.u32;
	s12 =	simm.s32 $0x480;
	_ =	strace $0x80000047  }
0xd: {  	[tilespmem:s12], [sflag:$0x1] =	stream.linear.gather [hbm4b:s7+s1], $0x11, $0x38;
	[tilespmem:$0xC00] =	vst v63  }
0xe: {  	s19 =	simm.s32 $0x500;
	p0 =	sne.s32 s5, $0x0  }
0xf: {  	[tilespmem:s19], [sflag:$0x1] =	stream.linear.gather [hbm4b:s9+s1], $0x11, $0x38;
	[tilespmem:$0xC00] =	vst v63  }
0x10: {  	s12 =	simm.s32 @!p0 $0xB80;
	s9 =	simm.s32 @!p0 $0x0  }
0x11: {  	[tilespmem:s12], [sflag:$0x1] =	stream.linear.gather @!p0 [hbm4b:s10+s9], $0x80, $0x38;
	[tilespmem:$0xC00] =	vst v63  }
0x12: {  	s10 =	simm.s32 @!p0 $0x1  }
0x13: {  	_ =	swait.ge @!p0 [sflag:s10], $0x80  }
0x14: {  	[sflag:s10] =	ssyncset.done @!p0 $0x0  }
0x15: {  	s20 =	simm.s32 $0x1;
	[sflag:s10] =	ssyncadd.s32 @!p0 $0xFFFFFF80  }
0x16: {  	_ =	swait.ge [sflag:s20], $0x11  }
0x17: {  	[sflag:s20] =	ssyncset.done $0x0  }
0x18: {  	[sflag:s20] =	ssyncadd.s32 $0xFFFFFFEF  }
0x19: {  	_ =	swait.ge [sflag:s20], $0x11  }
0x1a: {  	[sflag:s20] =	ssyncset.done $0x0  }
0x1b: {  	[sflag:s20] =	ssyncadd.s32 $0xFFFFFFEF  }
0x1c: {  	v0 =	vld [tilespmem:s5+$0x480];
	_ =	sdelay $0x1  }
0x1d: {  	v1 =	vld [tilespmem:s5+$0x500];
	_ =	sdelay $0x2  }
0x1e: {  	(v2sf) =	vpush v0, $0x0  }
0x1f: {  	(v2sf) =	vpush v0, $0x1  }
0x20: {  	(v2sf) =	vpush v1, $0x0;
	_ =	sdelay $0x4  }
0x21: {  	(v2sf) =	vpush v1, $0x1;
	_ =	sdelay $0x7  }
0x22: {  	s13 =	spop (v2sf)  }
0x23: {  	s14 =	spop (v2sf);
	s15 =	sand.u32 $0xFFFFFFF8, s13  }
0x24: {  	s16 =	spop (v2sf);
	p1 =	slt.s32 s15, $0xDF0  }
0x25: {  	s15 =	simm.s32 @!p1 $0xDF0;
	s17 =	sand.u32 $0xFFFFFFF8, s16  }
0x26: {  	p1 =	slt.s32 s17, $0xDF0;
	s18 =	sshrl.u32 s15, $0x3  }
0x27: {  	s6 =	sadd.s32 s6, s18;
	s17 =	simm.s32 @!p1 $0xDF0  }
0x28: {  	[tilespmem:s1], [sflag:$0x1] =	stream.linear.gather [hbm4b:s6+s1], $0x210, $0x38;
	[tilespmem:$0xC00] =	vst v63  }
0x29: {  	s21 =	spop (v2sf);
	s22 =	sshrl.u32 s17, $0x3  }
0x2a: {  	s23 =	simm.s32 $0x210;
	s18 =	ssub.s32 s21, s16;
	s6 =	sadd.s32 s8, s22  }
0x2b: {  	[tilespmem:s23], [sflag:$0x1] =	stream.linear.gather [hbm4b:s6+s1], $0x210, $0x38;
	[tilespmem:$0xC00] =	vst v63  }
0x2c: {  	p1 =	slt.s32 s18, $0xFE;
	s6 =	smov.u32 s18  }
0x2d: {  	s6 =	simm.s32 @!p1 $0xFE  }
0x2e: {  	s8 =	ssub.s32 s14, s13;
	s14 =	ssub.s32 $0x1FD, s6  }
0x2f: {  	[hbm4b:s11+s9] =	stream.linear.scatter @!p0 [tilespmem:s12], [sflag:$0x1], $0x80, $0x38;
	[tilespmem:$0xC00] =	vst v63  }
0x30: {  	p1 =	slt.s32 s8, s14  }
0x31: {  	s14 =	smov.u32 @p1 s8  }
0x32: {  	s25 =	simm.s32 $0x0;
	v1 =	vlaneseq.u32;
	s24 =	ssub.s32 s16, s17;
	s8 =	sadd.s32 $0x2, s14  }
0x33: {  	v0 =	vor.u32 s25, v1;
	s6 =	sadd.s32 $0x210, s24;
	v3 =	vmov s8  }
0x34: {  	s26 =	sxor.u32 $0xFFFFFFFF, s15;
	_ =	swait.ge @!p0 [sflag:s10], $0x80;
	v5 =	vmov s6;
	v10 =	vsub.s32 v0, v3  }
0x35: {  	s28 =	sadd.s32 s26, s13;
	[sflag:s10] =	ssyncset.done @!p0 $0x0;
	v2 =	vadd.s32 v5, v10  }
0x36: {  	v6 =	vmov s28;
	[sflag:s10] =	ssyncadd.s32 @!p0 $0xFFFFFF80;
	vm0 =	vgt.s32 v2, $0x210  }
0x37: {  	_ =	swait.ge [sflag:s20], $0x210;
	v0 =	vadd.s32 v6, v0;
	v2 =	vnsel vm0, $0x210, v2  }
0x38: {  	[sflag:s20] =	ssyncset.done $0x0;
	vm1 =	vgt.s32 v0, $0x0;
	v9 =	vmin.u32 v2, $0x41F  }
0x39: {  	[sflag:s20] =	ssyncadd.s32 $0xFFFFFDF0;
	v0 =	vnsel vm1, $0x0, v0  }
0x3a: {  	s6 =	simm.s32 $0x10;
	_ =	swait.ge [sflag:s20], $0x210;
	v11 =	vmin.u32 v0, $0x20F  }
0x3b: {  	v7 =	vadd.s32 $0xFFFFFFFF, v1;
	s8 =	ssub.s32 $0x1FD, s14;
	[sflag:s20] =	ssyncset.done $0x0;
	v2 =	vor.u32 s6, v1  }
0x3c: {  	v14 =	vadd.s32 s25, v7;
	p1 =	slt.s32 s18, s8;
	[sflag:s20] =	ssyncadd.s32 $0xFFFFFDF0;
	v8 =	vsub.s32 v2, v3;
	v13 =	vadd.s32 v6, v2  }
0x3d: {  	v4 =	vmov s14;
	s8 =	smov.u32 @p1 s18;
	v12 =	vadd.s32 v5, v8;
	vm1 =	vgt.s32 v13, $0x0;
	v9 =	vld.idx.msk [tilespmem:v9+s1+$0x0], $0xffff  }
0x3e: {  	v0 =	vmov s8;
	vm0 =	vgt.s32 v12, $0x210;
	v13 =	vnsel vm1, $0x0, v13  }
0x3f: {  	vm1 =	veq.s32 v10, v0;
	v11 =	vld.idx.msk [tilespmem:v11+s1+$0x0], $0xffff;
	v12 =	vnsel vm0, $0x210, v12;
	vm0 =	veq.s32 v10, $0xFFFFFFFF  }
0x40: {  	v2 =	vimm.s32 $0x0;
	v12 =	vmin.u32 v12, $0x41F;
	vm0 =	vmor vm0, vm1  }
0x41: {  	s7 =	simm.s32 $0x20;
	v13 =	vmin.u32 v13, $0x20F;
	vm1 =	vlt.u32 v10, v0;
	v15 =	vsel vm0, $0x66, v2  }
0x42: {  	v16 =	vor.u32 s7, v1;
	vm0 =	vlt.u32 v14, v4;
	v14 =	vsel vm1, v9, v15  }
0x43: {  	v9 =	vsub.s32 v16, v3;
	vm1 =	vle.s32 v10, v0;
	v16 =	vadd.s32 v6, v16  }
0x44: {  	v11 =	vsel vm0, v11, v14;
	v14 =	vadd.s32 v5, v9;
	vm0 =	vle.u32 v10, v0  }
0x45: {  	s29 =	sshll.u32 s5, $0x6;
	s5 =	sshll.u32 s5, $0x4;
	s8 =	simm.s32 $0x580;
	v15 =	vsel vm1, $0x1, v2;
	v10 =	vld.idx.msk [tilespmem:v12+s1+$0x0], $0xffff;
	vm1 =	vgt.s32 v14, $0x210;
	v17 =	vsel vm0, $0x1, v2  }
0x46: {  	s30 =	sand.u32 $0x200, s29;
	s5 =	sand.u32 $0x70, s5;
	s9 =	simm.s32 $0x780;
	[tilespmem:s8+$0x0] =	vst v11;
	vm0 =	vgt.s32 v16, $0x0;
	v11 =	vld.idx.msk [tilespmem:v13+s1+$0x0], $0xffff;
	v14 =	vnsel vm1, $0x210, v14;
	vm1 =	veq.s32 v8, $0xFFFFFFFF  }
0x47: {  	s31 =	sor.u32 s5, s30;
	s10 =	simm.s32 $0x980;
	[tilespmem:s9+$0x0] =	vst v15;
	v12 =	vnsel vm0, $0x0, v16;
	vm0 =	veq.s32 v8, v0;
	v13 =	vmin.u32 v14, $0x41F  }
0x48: {  	s5 =	sadd.s32 s2, s31;
	s3 =	sadd.s32 s3, s31;
	s2 =	sadd.s32 s4, s31;
	[tilespmem:s10+$0x0] =	vst v17;
	v12 =	vmin.u32 v12, $0x20F;
	vm0 =	vmor vm1, vm0  }
.LBB2_1:
0x49: {  	v14 =	vadd.s32 s6, v7;
	vm1 =	vlt.u32 v8, v0;
	v15 =	vsel vm0, $0x66, v2;
	s6 =	smov.u32 s7;
	s7 =	sadd.s32 $0x10, s7  }
0x4a: {  	v16 =	vor.u32 s7, v1;
	vm0 =	vlt.u32 v14, v4;
	v10 =	vsel vm1, v10, v15  }
0x4b: {  	s8 =	sadd.s32 $0x10, s8;
	p1 =	slt.u32 s7, $0x1F0;
	v14 =	vsub.s32 v16, v3;
	v11 =	vsel vm0, v11, v10;
	vm0 =	vle.s32 v8, v0  }
.Ltmp0:
0x4c: {  	s9 =	sadd.s32 $0x10, s9;
	v15 =	vadd.s32 v5, v14;
	v10 =	vld.idx.msk [tilespmem:v13+s1+$0x0], $0xffff;
	[tilespmem:s8+$0x0] =	vst v11;
	v13 =	vsel vm0, $0x1, v2;
	vm0 =	vle.u32 v8, v0;
	(pc) =	sbr.rel @p1 .LBB2_1-.Ltmp0, $4  }
0x4d: {  	s10 =	sadd.s32 $0x10, s10;
	v16 =	vadd.s32 v6, v16;
	v8 =	vmovc v9;
	vm1 =	vgt.s32 v15, $0x210;
	v11 =	vld.idx.msk [tilespmem:v12+s1+$0x0], $0xffff;
	[tilespmem:s9+$0x0] =	vst v13;
	v12 =	vsel vm0, $0x1, v2  }
0x4e: {  	v9 =	vmovc v14;
	vm0 =	vgt.s32 v16, $0x0;
	v13 =	vnsel vm1, $0x210, v15;
	vm1 =	veq.s32 v8, $0xFFFFFFFF;
	[tilespmem:s10+$0x0] =	vst v12  }
0x4f: {  	v12 =	vnsel vm0, $0x0, v16;
	vm0 =	veq.s32 v8, v0;
	v13 =	vmin.u32 v13, $0x41F  }
0x50: {  	v12 =	vmin.u32 v12, $0x20F;
	vm0 =	vmor vm1, vm0  }
0x51: {  	_ =	sdelay $0x3  }
0x52: {  	v1 =	vadd.s32 s6, v7;
	vm1 =	vlt.u32 v8, v0;
	v3 =	vsel vm0, $0x66, v2;
	v57 =	vld.idx.msk [tilespmem:v13+s1+$0x0], $0xffff  }
0x53: {  	v5 =	vld.idx.msk [tilespmem:v12+s1+$0x0], $0xffff;
	vm7 =	vle.s32 v8, v0;
	vm8 =	veq.s32 v9, $0xFFFFFFFF;
	vm2 =	veq.s32 v9, v0  }
0x54: {  	vm10 =	vle.u32 v8, v0;
	vm6 =	vlt.u32 v1, v4;
	v56 =	vsel vm1, v10, v3  }
0x55: {  	s21 =	sadd.s32 $0x10, s8;
	v58 =	vadd.s32 s7, v7;
	vm9 =	vmor vm8, vm2;
	v1 =	vsel vm6, v11, v56  }
0x56: {  	s4 =	sadd.s32 $0x10, s9;
	vm11 =	vlt.u32 v9, v0;
	v6 =	vsel vm7, $0x1, v2;
	v59 =	vsel vm9, $0x66, v2;
	[tilespmem:s21+$0x0] =	vst v1  }
0x57: {  	s22 =	sadd.s32 $0x10, s10;
	v60 =	vsel vm10, $0x1, v2;
	vm12 =	vlt.u32 v58, v4;
	[tilespmem:s4+$0x0] =	vst v6;
	v61 =	vsel vm11, v57, v59  }
0x58: {  	vm13 =	vle.s32 v9, v0;
	s1 =	sadd.s32 $0x10, s21;
	[tilespmem:s22+$0x0] =	vst v60;
	v1 =	vsel vm12, v5, v61  }
0x59: {  	vm14 =	vle.u32 v9, v0;
	v62 =	vsel vm13, $0x1, v2;
	s23 =	sadd.s32 $0x10, s4;
	[tilespmem:s1+$0x0] =	vst v1  }
0x5a: {  	v0 =	vsel vm14, $0x1, v2;
	s24 =	sadd.s32 $0x10, s22;
	[tilespmem:s23+$0x0] =	vst v62  }
0x5b: {  	[tilespmem:s24+$0x0] =	vst v0  }
0x5c: {  	v0 =	vld [tilespmem:$0x580];
	_ =	sdelay $0x2  }
0x5d: {  	v63 =	vlaneseq.u32  }
0x5e: {  	vm15 =	veq.s32 v63, $0x0  }
0x5f: {  	v0 =	vsel vm15, $0x65, v0  }
0x60: {  	s25 =	simm.s32 $0x80;
	s26 =	simm.s32 $0x400;
	s28 =	simm.s32 $0x580;
	[tilespmem:$0x580] =	vst v0  }
0x61: {  	[hbm4b:s5+s25] =	stream.strided.scatter [tilespmem:s28], [sflag:$0x1], $0x200, s26, s25, $0x38;
	[tilespmem:$0xC00] =	vst v63  }
0x62: {  	s29 =	simm.s32 $0x780  }
0x63: {  	[hbm4b:s3+s25] =	stream.strided.scatter [tilespmem:s29], [sflag:$0x1], $0x200, s26, s25, $0x38;
	[tilespmem:$0xC00] =	vst v63  }
0x64: {  	s30 =	simm.s32 $0x980;
	s31 =	simm.s32 $0x1  }
0x65: {  	[hbm4b:s2+s25] =	stream.strided.scatter [tilespmem:s30], [sflag:$0x1], $0x200, s26, s25, $0x38;
	[tilespmem:$0xC00] =	vst v63  }
0x66: {  	_ =	swait.ge [sflag:s31], $0x200  }
0x67: {  	[sflag:s31] =	ssyncset.done $0x0  }
0x68: {  	[sflag:s31] =	ssyncadd.s32 $0xFFFFFE00  }
0x69: {  	_ =	swait.ge [sflag:s31], $0x200  }
0x6a: {  	[sflag:s31] =	ssyncset.done $0x0  }
0x6b: {  	[sflag:s31] =	ssyncadd.s32 $0xFFFFFE00  }
0x6c: {  	_ =	swait.ge [sflag:s31], $0x200  }
0x6d: {  	[sflag:s31] =	ssyncset.done $0x0  }
0x6e: {  	[sflag:s31] =	ssyncadd.s32 $0xFFFFFE00  }
0x6f: {  	_ =	sfence.sel $0x180000  }
0x70: {  	[bflag:$0x0] =	sbarrier.arrive $0xFFFF  }
0x71: {  	_ =	strace $0x90000047  }
0x72: {  	s0 =	sadd.s32 @!p0 $0x100000, s0;
	[bflag:$0x2] =	sbarrier.arrive $0xFFFF  }
0x73: {  	[sflag:s0] =	ssyncadd.tile.s32 @!p0 $0x1;
	_ =	shalt  }
.Lfunc_end2:
_tile_overlayer_lowered:
.L_overlay_start_2:
0x74: {  	(tag) =	ssettag $0x2  }
0x75: {  	s0 =	rddreg [dreg:$0x0];
	s2 =	stileid.u32  }
0x76: {  	s1 =	rddreg [dreg:$0x1];
	p0 =	sne.s32 s2, $0x0  }
0x77: {  	s3 =	rddreg [dreg:$0x2];
	[bflag:$0x3] =	sbarrier.arrive $0xFFFF;
	s2 =	simm.s32 @!p0 $0x1C02  }
0x78: {  	[timem:s3], [sflag:s2] =	dma.local @!p0 [hbm:s0], s1  }
0x79: {  	s0 =	simm.s32 @!p0 $0x2  }
0x7a: {  	_ =	swait.ge @!p0 [sflag:s0], s1  }
0x7b: {  	s1 =	ssub.s32 @!p0 $0x0, s1;
	[sflag:s0] =	ssyncset.done @!p0 $0x0  }
0x7c: {  	[sflag:s0] =	ssyncadd.s32 @!p0 s1  }
0x7d: {  	[bflag:$0x3] =	sbarrier.arrive $0xFFFF  }
0x7e: {  	_ =	shalt  }

</sc_bundles>
